<compile_context>
chip_gen: v7x
topology: tpu7x:2x2x1
jax: 0.10.2.dev20260603
libtpu: 0.0.44.dev20260713+nightly
codegen_flags: <defaults>
</compile_context>

<pallas_src>
import functools

import jax
import jax.numpy as jnp
from jax import lax
from jax.experimental import pallas as pl
from jax.experimental.pallas import tpu as pltpu
from jax.experimental.pallas import tpu_sc as plsc

BATCH = 16384
EMBED_DIM = 32
TOTAL = 2 * BATCH

_info = plsc.get_sparse_core_info()
NC, NS, L = _info.num_cores, _info.num_subcores, _info.num_lanes
NW = NC * NS
B_PER_W = TOTAL // NW
CHUNK = 128
NCHUNK = B_PER_W // CHUNK

_mesh = plsc.VectorSubcoreMesh(core_axis_name="c", subcore_axis_name="s")


@functools.partial(
    pl.kernel,
    mesh=_mesh,
    out_type=jax.ShapeDtypeStruct((TOTAL,), jnp.float32),
    compiler_params=pltpu.CompilerParams(
        needs_layout_passes=False, use_tc_tiling_on_sc=False
    ),
    scratch_types=[
        pltpu.VMEM((NCHUNK, CHUNK), jnp.int32),
        pltpu.VMEM((NCHUNK, CHUNK), jnp.int32),
        pltpu.VMEM((NCHUNK, CHUNK), jnp.int32),
        pltpu.VMEM((CHUNK, EMBED_DIM), jnp.float32),
        pltpu.VMEM((CHUNK, EMBED_DIM), jnp.float32),
        pltpu.VMEM((CHUNK, EMBED_DIM), jnp.float32),
        pltpu.VMEM((CHUNK, EMBED_DIM), jnp.float32),
        pltpu.VMEM((CHUNK, EMBED_DIM), jnp.float32),
        pltpu.VMEM((CHUNK, EMBED_DIM), jnp.float32),
        pltpu.VMEM((B_PER_W,), jnp.float32),
        pltpu.VMEM((B_PER_W,), jnp.float32),
        pltpu.SemaphoreType.DMA,
    ],
)
def _complex_score_kernel(
    s_hbm, r_hbm, o_hbm,
    ent_real, ent_imag, rel_real, rel_imag,
    out_hbm,
    s_v, r_v, o_v,
    sr_v, si_v, or_v, oi_v, rr_v, ri_v,
    scores_v, acc_v, sem,
):
    wid = lax.axis_index("s") * NC + lax.axis_index("c")

    pltpu.sync_copy(s_hbm.at[wid], s_v)
    pltpu.sync_copy(r_hbm.at[wid], r_v)
    pltpu.sync_copy(o_hbm.at[wid], o_v)

    def chunk_body(g, carry):
        cps = [
            pltpu.async_copy(ent_real.at[s_v.at[g]], sr_v, sem),
            pltpu.async_copy(ent_imag.at[s_v.at[g]], si_v, sem),
            pltpu.async_copy(ent_real.at[o_v.at[g]], or_v, sem),
            pltpu.async_copy(ent_imag.at[o_v.at[g]], oi_v, sem),
            pltpu.async_copy(rel_real.at[r_v.at[g]], rr_v, sem),
            pltpu.async_copy(rel_imag.at[r_v.at[g]], ri_v, sem),
        ]
        for cp in cps:
            cp.wait()

        def zero_body(z, carry2):
            acc_v[pl.ds(g * CHUNK + z * L, L)] = jnp.zeros((L,), jnp.float32)
            return carry2

        lax.fori_loop(0, CHUNK // L, zero_body, 0)

        def trip_body(t, carry2):
            h = EMBED_DIM // 2
            sr0 = sr_v[t, pl.ds(0, h)]
            sr1 = sr_v[t, pl.ds(h, h)]
            si0 = si_v[t, pl.ds(0, h)]
            si1 = si_v[t, pl.ds(h, h)]
            or0 = or_v[t, pl.ds(0, h)]
            or1 = or_v[t, pl.ds(h, h)]
            oi0 = oi_v[t, pl.ds(0, h)]
            oi1 = oi_v[t, pl.ds(h, h)]
            rr0 = rr_v[t, pl.ds(0, h)]
            rr1 = rr_v[t, pl.ds(h, h)]
            ri0 = ri_v[t, pl.ds(0, h)]
            ri1 = ri_v[t, pl.ds(h, h)]
            v0 = sr0 * (or0 + oi0) + si0 * (oi0 - or0) + (rr0 + ri0)
            v1 = sr1 * (or1 + oi1) + si1 * (oi1 - or1) + (rr1 + ri1)
            v = v0 + v1
            slot = jnp.full((L,), g * CHUNK + t, jnp.int32)
            plsc.addupdate_scatter(acc_v, [slot], v)
            return carry2

        lax.fori_loop(0, CHUNK, trip_body, 0)
        return carry

    lax.fori_loop(0, NCHUNK, chunk_body, 0)

    def copy_body(z, carry):
        scores_v[pl.ds(z * L, L)] = acc_v[pl.ds(z * L, L)]
        return carry

    lax.fori_loop(0, B_PER_W // L, copy_body, 0)

    pltpu.sync_copy(scores_v, out_hbm.at[pl.ds(wid * B_PER_W, B_PER_W)])


def kernel(positive, negative, ent_real, ent_imag, rel_real, rel_imag):
    trip = jnp.concatenate([positive, negative], axis=0)
    s_idx = trip[:, 0].reshape(NW, NCHUNK, CHUNK)
    r_idx = trip[:, 1].reshape(NW, NCHUNK, CHUNK)
    o_idx = trip[:, 2].reshape(NW, NCHUNK, CHUNK)
    out = _complex_score_kernel(
        s_idx, r_idx, o_idx, ent_real, ent_imag, rel_real, rel_imag
    )
    return out[:BATCH], out[BATCH:]

# --- scband reference (transcript-rebuilt; emitter-appended) ---
"""Pipeline reference for scband-compl-ex-81003083202720 (READ-ONLY COPY).

The authoritative reference and input builder live on the scoring server;
editing this copy changes nothing except your own understanding.
"""

import jax, jax.numpy as jnp
import numpy as np

NUM_ENTITIES = 1000000
NUM_RELATIONS = 1000000
EMBED_DIM = 32
BATCH = 16384


def setup_inputs(seed: int = 0) -> dict:
    key = jax.random.key(seed)
    k1, k2, k3, k4, k5, k6 = jax.random.split(key, 6)
    positive = jax.random.randint(k1, (BATCH, 3), 0, NUM_ENTITIES, dtype=jnp.int32)
    negative = jax.random.randint(k2, (BATCH, 3), 0, NUM_ENTITIES, dtype=jnp.int32)
    # xavier_uniform bounds
    b_ent = float(np.sqrt(6.0 / (NUM_ENTITIES + EMBED_DIM)))
    b_rel = float(np.sqrt(6.0 / (NUM_RELATIONS + EMBED_DIM)))
    ent_real = jax.random.uniform(k3, (NUM_ENTITIES, EMBED_DIM), minval=-b_ent, maxval=b_ent, dtype=jnp.float32)
    ent_imag = jax.random.uniform(k4, (NUM_ENTITIES, EMBED_DIM), minval=-b_ent, maxval=b_ent, dtype=jnp.float32)
    rel_real = jax.random.uniform(k5, (NUM_RELATIONS, EMBED_DIM), minval=-b_rel, maxval=b_rel, dtype=jnp.float32)
    rel_imag = jax.random.uniform(k6, (NUM_RELATIONS, EMBED_DIM), minval=-b_rel, maxval=b_rel, dtype=jnp.float32)
    return {
        "positive": positive,
        "negative": negative,
        "ent_real": ent_real,
        "ent_imag": ent_imag,
        "rel_real": rel_real,
        "rel_imag": rel_imag,
    }


def _score_triplets(triplets, ent_real, ent_imag, rel_real, rel_imag):
    s = triplets[:, 0]
    r = triplets[:, 1]
    o = triplets[:, 2]
    subject_real = jnp.take(ent_real, s, axis=0)
    subject_imag = jnp.take(ent_imag, s, axis=0)
    rr = jnp.take(rel_real, r, axis=0)
    ri = jnp.take(rel_imag, r, axis=0)
    object_real = jnp.take(ent_real, o, axis=0)
    object_imag = jnp.take(ent_imag, o, axis=0)
    score_real = subject_real * object_real + subject_imag * object_imag + rr
    score_imag = subject_real * object_imag - subject_imag * object_real + ri
    return jnp.sum(score_real + score_imag, axis=-1)


def reference(positive, negative, ent_real, ent_imag, rel_real, rel_imag):
    pos_scores = _score_triplets(positive, ent_real, ent_imag, rel_real, rel_imag)
    neg_scores = _score_triplets(negative, ent_real, ent_imag, rel_real, rel_imag)
    return (pos_scores, neg_scores)

if __name__ == "__main__":
    import jax
    _d = setup_inputs()
    print(jax.jit(kernel)(*tuple(_d.values())))

</pallas_src>

<mosaic_0001>
#map = affine_map<(d0, d1) -> (0, 0, 0)>
#map1 = affine_map<(d0, d1) -> (0, 0)>
#map2 = affine_map<(d0, d1) -> (0)>
module attributes {stable_mosaic.version = 14 : i64} {
  func.func @_complex_score_kernel(%arg0: i32, %arg1: i32, %arg2: memref<32x8x128xi32, #tpu.memory_space<hbm>>, %arg3: memref<32x8x128xi32, #tpu.memory_space<hbm>>, %arg4: memref<32x8x128xi32, #tpu.memory_space<hbm>>, %arg5: memref<1000000x32xf32, #tpu.memory_space<hbm>>, %arg6: memref<1000000x32xf32, #tpu.memory_space<hbm>>, %arg7: memref<1000000x32xf32, #tpu.memory_space<hbm>>, %arg8: memref<1000000x32xf32, #tpu.memory_space<hbm>>, %arg9: memref<32768xf32, #tpu.memory_space<hbm>>, %arg10: memref<8x128xi32, #tpu.memory_space<vmem>>, %arg11: memref<8x128xi32, #tpu.memory_space<vmem>>, %arg12: memref<8x128xi32, #tpu.memory_space<vmem>>, %arg13: memref<128x32xf32, #tpu.memory_space<vmem>>, %arg14: memref<128x32xf32, #tpu.memory_space<vmem>>, %arg15: memref<128x32xf32, #tpu.memory_space<vmem>>, %arg16: memref<128x32xf32, #tpu.memory_space<vmem>>, %arg17: memref<128x32xf32, #tpu.memory_space<vmem>>, %arg18: memref<128x32xf32, #tpu.memory_space<vmem>>, %arg19: memref<1024xf32, #tpu.memory_space<vmem>>, %arg20: memref<1024xf32, #tpu.memory_space<vmem>>, %arg21: memref<!tpu.dma_semaphore, #tpu.memory_space<semaphore_mem>>) attributes {dimension_semantics = [#tpu.dimension_semantics<core_parallel>, #tpu.dimension_semantics<subcore_parallel>], iteration_bounds = array<i64: 2, 16>, scalar_prefetch = 0 : i64, scratch_operands = 12 : i64, tpu.core_type = #tpu.core_type<sc_vector_subcore>, window_params = [{transform_indices = #map}, {transform_indices = #map}, {transform_indices = #map}, {transform_indices = #map1}, {transform_indices = #map1}, {transform_indices = #map1}, {transform_indices = #map1}, {transform_indices = #map2}]} {
    %mul3A = arith.constant 2 : i32
    %mul3A_0 = arith.muli %arg1, %mul3A : i32
    %add3A = arith.addi %mul3A_0, %arg0 : i32
    "tpu.region"() ({
      %run_scoped3A = tpu.sem_alloc : memref<!tpu.dma_semaphore, #tpu.memory_space<semaphore_mem>>
      %dma_start3A = arith.constant 0 : i32
      %dma_start3A_14 = arith.constant 0 : i32
      %dma_start3A_15 = tpu.memref_slice %arg2[%add3A, %dma_start3A, %dma_start3A_14] : memref<32x8x128xi32, #tpu.memory_space<hbm>> -> memref<1x8x128xi32, #tpu.memory_space<hbm>>
      %dma_start3A_16 = tpu.memref_squeeze %dma_start3A_15 : memref<1x8x128xi32, #tpu.memory_space<hbm>> -> memref<8x128xi32, #tpu.memory_space<hbm>>
      %dma_start3A_17 = arith.constant 0 : i32
      %dma_start3A_18 = arith.constant 0 : i32
      %dma_start3A_19 = tpu.memref_slice %arg2[%add3A, %dma_start3A_17, %dma_start3A_18] : memref<32x8x128xi32, #tpu.memory_space<hbm>> -> memref<1x8x128xi32, #tpu.memory_space<hbm>>
      %dma_start3A_20 = tpu.memref_squeeze %dma_start3A_19 : memref<1x8x128xi32, #tpu.memory_space<hbm>> -> memref<8x128xi32, #tpu.memory_space<hbm>>
      tpu.enqueue_dma source(%dma_start3A_20 : memref<8x128xi32, #tpu.memory_space<hbm>>) target(%arg10 : memref<8x128xi32, #tpu.memory_space<vmem>>) target_semaphore(%run_scoped3A : memref<!tpu.dma_semaphore, #tpu.memory_space<semaphore_mem>>)
      %dma_wait3A = arith.constant 0 : i32
      %dma_wait3A_21 = arith.constant 0 : i32
      %dma_wait3A_22 = tpu.memref_slice %arg2[%add3A, %dma_wait3A, %dma_wait3A_21] : memref<32x8x128xi32, #tpu.memory_space<hbm>> -> memref<1x8x128xi32, #tpu.memory_space<hbm>>
      %dma_wait3A_23 = tpu.memref_squeeze %dma_wait3A_22 : memref<1x8x128xi32, #tpu.memory_space<hbm>> -> memref<8x128xi32, #tpu.memory_space<hbm>>
      %dma_wait3A_24 = arith.constant 0 : i32
      %dma_wait3A_25 = arith.constant 0 : i32
      %dma_wait3A_26 = tpu.memref_slice %arg2[%add3A, %dma_wait3A_24, %dma_wait3A_25] : memref<32x8x128xi32, #tpu.memory_space<hbm>> -> memref<1x8x128xi32, #tpu.memory_space<hbm>>
      %dma_wait3A_27 = tpu.memref_squeeze %dma_wait3A_26 : memref<1x8x128xi32, #tpu.memory_space<hbm>> -> memref<8x128xi32, #tpu.memory_space<hbm>>
      tpu.wait_dma2 semaphore(%run_scoped3A : memref<!tpu.dma_semaphore, #tpu.memory_space<semaphore_mem>>) src(%dma_wait3A_27 : memref<8x128xi32, #tpu.memory_space<hbm>>) dst(%arg10 : memref<8x128xi32, #tpu.memory_space<vmem>>)
      tpu.yield
    }) : () -> ()
    "tpu.region"() ({
      %run_scoped3A = tpu.sem_alloc : memref<!tpu.dma_semaphore, #tpu.memory_space<semaphore_mem>>
      %dma_start3A = arith.constant 0 : i32
      %dma_start3A_14 = arith.constant 0 : i32
      %dma_start3A_15 = tpu.memref_slice %arg3[%add3A, %dma_start3A, %dma_start3A_14] : memref<32x8x128xi32, #tpu.memory_space<hbm>> -> memref<1x8x128xi32, #tpu.memory_space<hbm>>
      %dma_start3A_16 = tpu.memref_squeeze %dma_start3A_15 : memref<1x8x128xi32, #tpu.memory_space<hbm>> -> memref<8x128xi32, #tpu.memory_space<hbm>>
      %dma_start3A_17 = arith.constant 0 : i32
      %dma_start3A_18 = arith.constant 0 : i32
      %dma_start3A_19 = tpu.memref_slice %arg3[%add3A, %dma_start3A_17, %dma_start3A_18] : memref<32x8x128xi32, #tpu.memory_space<hbm>> -> memref<1x8x128xi32, #tpu.memory_space<hbm>>
      %dma_start3A_20 = tpu.memref_squeeze %dma_start3A_19 : memref<1x8x128xi32, #tpu.memory_space<hbm>> -> memref<8x128xi32, #tpu.memory_space<hbm>>
      tpu.enqueue_dma source(%dma_start3A_20 : memref<8x128xi32, #tpu.memory_space<hbm>>) target(%arg11 : memref<8x128xi32, #tpu.memory_space<vmem>>) target_semaphore(%run_scoped3A : memref<!tpu.dma_semaphore, #tpu.memory_space<semaphore_mem>>)
      %dma_wait3A = arith.constant 0 : i32
      %dma_wait3A_21 = arith.constant 0 : i32
      %dma_wait3A_22 = tpu.memref_slice %arg3[%add3A, %dma_wait3A, %dma_wait3A_21] : memref<32x8x128xi32, #tpu.memory_space<hbm>> -> memref<1x8x128xi32, #tpu.memory_space<hbm>>
      %dma_wait3A_23 = tpu.memref_squeeze %dma_wait3A_22 : memref<1x8x128xi32, #tpu.memory_space<hbm>> -> memref<8x128xi32, #tpu.memory_space<hbm>>
      %dma_wait3A_24 = arith.constant 0 : i32
      %dma_wait3A_25 = arith.constant 0 : i32
      %dma_wait3A_26 = tpu.memref_slice %arg3[%add3A, %dma_wait3A_24, %dma_wait3A_25] : memref<32x8x128xi32, #tpu.memory_space<hbm>> -> memref<1x8x128xi32, #tpu.memory_space<hbm>>
      %dma_wait3A_27 = tpu.memref_squeeze %dma_wait3A_26 : memref<1x8x128xi32, #tpu.memory_space<hbm>> -> memref<8x128xi32, #tpu.memory_space<hbm>>
      tpu.wait_dma2 semaphore(%run_scoped3A : memref<!tpu.dma_semaphore, #tpu.memory_space<semaphore_mem>>) src(%dma_wait3A_27 : memref<8x128xi32, #tpu.memory_space<hbm>>) dst(%arg11 : memref<8x128xi32, #tpu.memory_space<vmem>>)
      tpu.yield
    }) : () -> ()
    "tpu.region"() ({
      %run_scoped3A = tpu.sem_alloc : memref<!tpu.dma_semaphore, #tpu.memory_space<semaphore_mem>>
      %dma_start3A = arith.constant 0 : i32
      %dma_start3A_14 = arith.constant 0 : i32
      %dma_start3A_15 = tpu.memref_slice %arg4[%add3A, %dma_start3A, %dma_start3A_14] : memref<32x8x128xi32, #tpu.memory_space<hbm>> -> memref<1x8x128xi32, #tpu.memory_space<hbm>>
      %dma_start3A_16 = tpu.memref_squeeze %dma_start3A_15 : memref<1x8x128xi32, #tpu.memory_space<hbm>> -> memref<8x128xi32, #tpu.memory_space<hbm>>
      %dma_start3A_17 = arith.constant 0 : i32
      %dma_start3A_18 = arith.constant 0 : i32
      %dma_start3A_19 = tpu.memref_slice %arg4[%add3A, %dma_start3A_17, %dma_start3A_18] : memref<32x8x128xi32, #tpu.memory_space<hbm>> -> memref<1x8x128xi32, #tpu.memory_space<hbm>>
      %dma_start3A_20 = tpu.memref_squeeze %dma_start3A_19 : memref<1x8x128xi32, #tpu.memory_space<hbm>> -> memref<8x128xi32, #tpu.memory_space<hbm>>
      tpu.enqueue_dma source(%dma_start3A_20 : memref<8x128xi32, #tpu.memory_space<hbm>>) target(%arg12 : memref<8x128xi32, #tpu.memory_space<vmem>>) target_semaphore(%run_scoped3A : memref<!tpu.dma_semaphore, #tpu.memory_space<semaphore_mem>>)
      %dma_wait3A = arith.constant 0 : i32
      %dma_wait3A_21 = arith.constant 0 : i32
      %dma_wait3A_22 = tpu.memref_slice %arg4[%add3A, %dma_wait3A, %dma_wait3A_21] : memref<32x8x128xi32, #tpu.memory_space<hbm>> -> memref<1x8x128xi32, #tpu.memory_space<hbm>>
      %dma_wait3A_23 = tpu.memref_squeeze %dma_wait3A_22 : memref<1x8x128xi32, #tpu.memory_space<hbm>> -> memref<8x128xi32, #tpu.memory_space<hbm>>
      %dma_wait3A_24 = arith.constant 0 : i32
      %dma_wait3A_25 = arith.constant 0 : i32
      %dma_wait3A_26 = tpu.memref_slice %arg4[%add3A, %dma_wait3A_24, %dma_wait3A_25] : memref<32x8x128xi32, #tpu.memory_space<hbm>> -> memref<1x8x128xi32, #tpu.memory_space<hbm>>
      %dma_wait3A_27 = tpu.memref_squeeze %dma_wait3A_26 : memref<1x8x128xi32, #tpu.memory_space<hbm>> -> memref<8x128xi32, #tpu.memory_space<hbm>>
      tpu.wait_dma2 semaphore(%run_scoped3A : memref<!tpu.dma_semaphore, #tpu.memory_space<semaphore_mem>>) src(%dma_wait3A_27 : memref<8x128xi32, #tpu.memory_space<hbm>>) dst(%arg12 : memref<8x128xi32, #tpu.memory_space<vmem>>)
      tpu.yield
    }) : () -> ()
    %scan3A = arith.constant 0 : i32
    %scan3A_1 = arith.constant 0 : i32
    %scan3A_2 = arith.constant 8 : i32
    %scan3A_3 = arith.addi %scan3A_1, %scan3A_2 : i32
    %scan3A_4 = arith.constant 1 : i32
    scf.for %scan3A_14 = %scan3A_1 to %scan3A_3 step %scan3A_4  : i32 {
      %dma_start3A = arith.constant 0 : i32
      %dma_start3A_15 = tpu.memref_slice %arg10[%scan3A_14, %dma_start3A] : memref<8x128xi32, #tpu.memory_space<vmem>> -> memref<1x128xi32, #tpu.memory_space<vmem>>
      %dma_start3A_16 = tpu.memref_squeeze %dma_start3A_15 : memref<1x128xi32, #tpu.memory_space<vmem>> -> memref<128xi32, #tpu.memory_space<vmem>>
      %dma_start3A_17 = arith.constant 0 : i32
      %dma_start3A_18 = arith.constant 0 : i32
      %dma_start3A_19 = tpu.memref_slice %arg5[%dma_start3A_17, %dma_start3A_18] : memref<1000000x32xf32, #tpu.memory_space<hbm>> -> memref<1000000x32xf32, #tpu.memory_space<hbm>>
      tpu.enqueue_indirect_dma source(%dma_start3A_19 : memref<1000000x32xf32, #tpu.memory_space<hbm>>) target(%arg13 : memref<128x32xf32, #tpu.memory_space<vmem>>) offsets(%dma_start3A_16 : memref<128xi32, #tpu.memory_space<vmem>>) semaphore(%arg21 : memref<!tpu.dma_semaphore, #tpu.memory_space<semaphore_mem>>)
      %dma_start3A_20 = arith.constant 0 : i32
      %dma_start3A_21 = tpu.memref_slice %arg10[%scan3A_14, %dma_start3A_20] : memref<8x128xi32, #tpu.memory_space<vmem>> -> memref<1x128xi32, #tpu.memory_space<vmem>>
      %dma_start3A_22 = tpu.memref_squeeze %dma_start3A_21 : memref<1x128xi32, #tpu.memory_space<vmem>> -> memref<128xi32, #tpu.memory_space<vmem>>
      %dma_start3A_23 = arith.constant 0 : i32
      %dma_start3A_24 = arith.constant 0 : i32
      %dma_start3A_25 = tpu.memref_slice %arg6[%dma_start3A_23, %dma_start3A_24] : memref<1000000x32xf32, #tpu.memory_space<hbm>> -> memref<1000000x32xf32, #tpu.memory_space<hbm>>
      tpu.enqueue_indirect_dma source(%dma_start3A_25 : memref<1000000x32xf32, #tpu.memory_space<hbm>>) target(%arg14 : memref<128x32xf32, #tpu.memory_space<vmem>>) offsets(%dma_start3A_22 : memref<128xi32, #tpu.memory_space<vmem>>) semaphore(%arg21 : memref<!tpu.dma_semaphore, #tpu.memory_space<semaphore_mem>>)
      %dma_start3A_26 = arith.constant 0 : i32
      %dma_start3A_27 = tpu.memref_slice %arg12[%scan3A_14, %dma_start3A_26] : memref<8x128xi32, #tpu.memory_space<vmem>> -> memref<1x128xi32, #tpu.memory_space<vmem>>
      %dma_start3A_28 = tpu.memref_squeeze %dma_start3A_27 : memref<1x128xi32, #tpu.memory_space<vmem>> -> memref<128xi32, #tpu.memory_space<vmem>>
      %dma_start3A_29 = arith.constant 0 : i32
      %dma_start3A_30 = arith.constant 0 : i32
      %dma_start3A_31 = tpu.memref_slice %arg5[%dma_start3A_29, %dma_start3A_30] : memref<1000000x32xf32, #tpu.memory_space<hbm>> -> memref<1000000x32xf32, #tpu.memory_space<hbm>>
      tpu.enqueue_indirect_dma source(%dma_start3A_31 : memref<1000000x32xf32, #tpu.memory_space<hbm>>) target(%arg15 : memref<128x32xf32, #tpu.memory_space<vmem>>) offsets(%dma_start3A_28 : memref<128xi32, #tpu.memory_space<vmem>>) semaphore(%arg21 : memref<!tpu.dma_semaphore, #tpu.memory_space<semaphore_mem>>)
      %dma_start3A_32 = arith.constant 0 : i32
      %dma_start3A_33 = tpu.memref_slice %arg12[%scan3A_14, %dma_start3A_32] : memref<8x128xi32, #tpu.memory_space<vmem>> -> memref<1x128xi32, #tpu.memory_space<vmem>>
      %dma_start3A_34 = tpu.memref_squeeze %dma_start3A_33 : memref<1x128xi32, #tpu.memory_space<vmem>> -> memref<128xi32, #tpu.memory_space<vmem>>
      %dma_start3A_35 = arith.constant 0 : i32
      %dma_start3A_36 = arith.constant 0 : i32
      %dma_start3A_37 = tpu.memref_slice %arg6[%dma_start3A_35, %dma_start3A_36] : memref<1000000x32xf32, #tpu.memory_space<hbm>> -> memref<1000000x32xf32, #tpu.memory_space<hbm>>
      tpu.enqueue_indirect_dma source(%dma_start3A_37 : memref<1000000x32xf32, #tpu.memory_space<hbm>>) target(%arg16 : memref<128x32xf32, #tpu.memory_space<vmem>>) offsets(%dma_start3A_34 : memref<128xi32, #tpu.memory_space<vmem>>) semaphore(%arg21 : memref<!tpu.dma_semaphore, #tpu.memory_space<semaphore_mem>>)
      %dma_start3A_38 = arith.constant 0 : i32
      %dma_start3A_39 = tpu.memref_slice %arg11[%scan3A_14, %dma_start3A_38] : memref<8x128xi32, #tpu.memory_space<vmem>> -> memref<1x128xi32, #tpu.memory_space<vmem>>
      %dma_start3A_40 = tpu.memref_squeeze %dma_start3A_39 : memref<1x128xi32, #tpu.memory_space<vmem>> -> memref<128xi32, #tpu.memory_space<vmem>>
      %dma_start3A_41 = arith.constant 0 : i32
      %dma_start3A_42 = arith.constant 0 : i32
      %dma_start3A_43 = tpu.memref_slice %arg7[%dma_start3A_41, %dma_start3A_42] : memref<1000000x32xf32, #tpu.memory_space<hbm>> -> memref<1000000x32xf32, #tpu.memory_space<hbm>>
      tpu.enqueue_indirect_dma source(%dma_start3A_43 : memref<1000000x32xf32, #tpu.memory_space<hbm>>) target(%arg17 : memref<128x32xf32, #tpu.memory_space<vmem>>) offsets(%dma_start3A_40 : memref<128xi32, #tpu.memory_space<vmem>>) semaphore(%arg21 : memref<!tpu.dma_semaphore, #tpu.memory_space<semaphore_mem>>)
      %dma_start3A_44 = arith.constant 0 : i32
      %dma_start3A_45 = tpu.memref_slice %arg11[%scan3A_14, %dma_start3A_44] : memref<8x128xi32, #tpu.memory_space<vmem>> -> memref<1x128xi32, #tpu.memory_space<vmem>>
      %dma_start3A_46 = tpu.memref_squeeze %dma_start3A_45 : memref<1x128xi32, #tpu.memory_space<vmem>> -> memref<128xi32, #tpu.memory_space<vmem>>
      %dma_start3A_47 = arith.constant 0 : i32
      %dma_start3A_48 = arith.constant 0 : i32
      %dma_start3A_49 = tpu.memref_slice %arg8[%dma_start3A_47, %dma_start3A_48] : memref<1000000x32xf32, #tpu.memory_space<hbm>> -> memref<1000000x32xf32, #tpu.memory_space<hbm>>
      tpu.enqueue_indirect_dma source(%dma_start3A_49 : memref<1000000x32xf32, #tpu.memory_space<hbm>>) target(%arg18 : memref<128x32xf32, #tpu.memory_space<vmem>>) offsets(%dma_start3A_46 : memref<128xi32, #tpu.memory_space<vmem>>) semaphore(%arg21 : memref<!tpu.dma_semaphore, #tpu.memory_space<semaphore_mem>>)
      %dma_wait3A = arith.constant 0 : i32
      %dma_wait3A_50 = tpu.memref_slice %arg10[%scan3A_14, %dma_wait3A] : memref<8x128xi32, #tpu.memory_space<vmem>> -> memref<1x128xi32, #tpu.memory_space<vmem>>
      %dma_wait3A_51 = tpu.memref_squeeze %dma_wait3A_50 : memref<1x128xi32, #tpu.memory_space<vmem>> -> memref<128xi32, #tpu.memory_space<vmem>>
      %dma_wait3A_52 = arith.constant 0 : i32
      %dma_wait3A_53 = arith.constant 0 : i32
      %dma_wait3A_54 = tpu.memref_slice %arg5[%dma_wait3A_52, %dma_wait3A_53] : memref<1000000x32xf32, #tpu.memory_space<hbm>> -> memref<1000000x32xf32, #tpu.memory_space<hbm>>
      tpu.wait_indirect_dma semaphore(%arg21 : memref<!tpu.dma_semaphore, #tpu.memory_space<semaphore_mem>>) src(%dma_wait3A_54 : memref<1000000x32xf32, #tpu.memory_space<hbm>>) dst(%arg13 : memref<128x32xf32, #tpu.memory_space<vmem>>)
      %dma_wait3A_55 = arith.constant 0 : i32
      %dma_wait3A_56 = tpu.memref_slice %arg10[%scan3A_14, %dma_wait3A_55] : memref<8x128xi32, #tpu.memory_space<vmem>> -> memref<1x128xi32, #tpu.memory_space<vmem>>
      %dma_wait3A_57 = tpu.memref_squeeze %dma_wait3A_56 : memref<1x128xi32, #tpu.memory_space<vmem>> -> memref<128xi32, #tpu.memory_space<vmem>>
      %dma_wait3A_58 = arith.constant 0 : i32
      %dma_wait3A_59 = arith.constant 0 : i32
      %dma_wait3A_60 = tpu.memref_slice %arg6[%dma_wait3A_58, %dma_wait3A_59] : memref<1000000x32xf32, #tpu.memory_space<hbm>> -> memref<1000000x32xf32, #tpu.memory_space<hbm>>
      tpu.wait_indirect_dma semaphore(%arg21 : memref<!tpu.dma_semaphore, #tpu.memory_space<semaphore_mem>>) src(%dma_wait3A_60 : memref<1000000x32xf32, #tpu.memory_space<hbm>>) dst(%arg14 : memref<128x32xf32, #tpu.memory_space<vmem>>)
      %dma_wait3A_61 = arith.constant 0 : i32
      %dma_wait3A_62 = tpu.memref_slice %arg12[%scan3A_14, %dma_wait3A_61] : memref<8x128xi32, #tpu.memory_space<vmem>> -> memref<1x128xi32, #tpu.memory_space<vmem>>
      %dma_wait3A_63 = tpu.memref_squeeze %dma_wait3A_62 : memref<1x128xi32, #tpu.memory_space<vmem>> -> memref<128xi32, #tpu.memory_space<vmem>>
      %dma_wait3A_64 = arith.constant 0 : i32
      %dma_wait3A_65 = arith.constant 0 : i32
      %dma_wait3A_66 = tpu.memref_slice %arg5[%dma_wait3A_64, %dma_wait3A_65] : memref<1000000x32xf32, #tpu.memory_space<hbm>> -> memref<1000000x32xf32, #tpu.memory_space<hbm>>
      tpu.wait_indirect_dma semaphore(%arg21 : memref<!tpu.dma_semaphore, #tpu.memory_space<semaphore_mem>>) src(%dma_wait3A_66 : memref<1000000x32xf32, #tpu.memory_space<hbm>>) dst(%arg15 : memref<128x32xf32, #tpu.memory_space<vmem>>)
      %dma_wait3A_67 = arith.constant 0 : i32
      %dma_wait3A_68 = tpu.memref_slice %arg12[%scan3A_14, %dma_wait3A_67] : memref<8x128xi32, #tpu.memory_space<vmem>> -> memref<1x128xi32, #tpu.memory_space<vmem>>
      %dma_wait3A_69 = tpu.memref_squeeze %dma_wait3A_68 : memref<1x128xi32, #tpu.memory_space<vmem>> -> memref<128xi32, #tpu.memory_space<vmem>>
      %dma_wait3A_70 = arith.constant 0 : i32
      %dma_wait3A_71 = arith.constant 0 : i32
      %dma_wait3A_72 = tpu.memref_slice %arg6[%dma_wait3A_70, %dma_wait3A_71] : memref<1000000x32xf32, #tpu.memory_space<hbm>> -> memref<1000000x32xf32, #tpu.memory_space<hbm>>
      tpu.wait_indirect_dma semaphore(%arg21 : memref<!tpu.dma_semaphore, #tpu.memory_space<semaphore_mem>>) src(%dma_wait3A_72 : memref<1000000x32xf32, #tpu.memory_space<hbm>>) dst(%arg16 : memref<128x32xf32, #tpu.memory_space<vmem>>)
      %dma_wait3A_73 = arith.constant 0 : i32
      %dma_wait3A_74 = tpu.memref_slice %arg11[%scan3A_14, %dma_wait3A_73] : memref<8x128xi32, #tpu.memory_space<vmem>> -> memref<1x128xi32, #tpu.memory_space<vmem>>
      %dma_wait3A_75 = tpu.memref_squeeze %dma_wait3A_74 : memref<1x128xi32, #tpu.memory_space<vmem>> -> memref<128xi32, #tpu.memory_space<vmem>>
      %dma_wait3A_76 = arith.constant 0 : i32
      %dma_wait3A_77 = arith.constant 0 : i32
      %dma_wait3A_78 = tpu.memref_slice %arg7[%dma_wait3A_76, %dma_wait3A_77] : memref<1000000x32xf32, #tpu.memory_space<hbm>> -> memref<1000000x32xf32, #tpu.memory_space<hbm>>
      tpu.wait_indirect_dma semaphore(%arg21 : memref<!tpu.dma_semaphore, #tpu.memory_space<semaphore_mem>>) src(%dma_wait3A_78 : memref<1000000x32xf32, #tpu.memory_space<hbm>>) dst(%arg17 : memref<128x32xf32, #tpu.memory_space<vmem>>)
      %dma_wait3A_79 = arith.constant 0 : i32
      %dma_wait3A_80 = tpu.memref_slice %arg11[%scan3A_14, %dma_wait3A_79] : memref<8x128xi32, #tpu.memory_space<vmem>> -> memref<1x128xi32, #tpu.memory_space<vmem>>
      %dma_wait3A_81 = tpu.memref_squeeze %dma_wait3A_80 : memref<1x128xi32, #tpu.memory_space<vmem>> -> memref<128xi32, #tpu.memory_space<vmem>>
      %dma_wait3A_82 = arith.constant 0 : i32
      %dma_wait3A_83 = arith.constant 0 : i32
      %dma_wait3A_84 = tpu.memref_slice %arg8[%dma_wait3A_82, %dma_wait3A_83] : memref<1000000x32xf32, #tpu.memory_space<hbm>> -> memref<1000000x32xf32, #tpu.memory_space<hbm>>
      tpu.wait_indirect_dma semaphore(%arg21 : memref<!tpu.dma_semaphore, #tpu.memory_space<semaphore_mem>>) src(%dma_wait3A_84 : memref<1000000x32xf32, #tpu.memory_space<hbm>>) dst(%arg18 : memref<128x32xf32, #tpu.memory_space<vmem>>)
      %scan3A_85 = arith.constant 0 : i32
      %scan3A_86 = arith.constant 0 : i32
      %scan3A_87 = arith.constant 8 : i32
      %scan3A_88 = arith.addi %scan3A_86, %scan3A_87 : i32
      %scan3A_89 = arith.constant 1 : i32
      scf.for %scan3A_97 = %scan3A_86 to %scan3A_88 step %scan3A_89  : i32 {
        %broadcast_in_dim3A = arith.constant 0.000000e+00 : f32
        %broadcast_in_dim3A_98 = vector.broadcast %broadcast_in_dim3A : f32 to vector<16xf32>
        %mul3A_99 = arith.constant 128 : i32
        %mul3A_100 = arith.muli %scan3A_14, %mul3A_99 : i32
        %mul3A_101 = arith.constant 16 : i32
        %mul3A_102 = arith.muli %scan3A_97, %mul3A_101 : i32
        %add3A_103 = arith.addi %mul3A_100, %mul3A_102 : i32
        %swap3A = arith.index_cast %add3A_103 : i32 to index
        %swap3A_104 = tpu.vector_load %arg20[%swap3A] {strides = array<i32>} : memref<1024xf32, #tpu.memory_space<vmem>>, vector<16xf32>,
        tpu.vector_store %arg20[%swap3A], %broadcast_in_dim3A_98 {strides = array<i32>} : memref<1024xf32, #tpu.memory_space<vmem>>, vector<16xf32>,
      }
      %scan3A_90 = arith.constant 8 : i32
      %scan3A_91 = arith.constant 0 : i32
      %scan3A_92 = arith.constant 0 : i32
      %scan3A_93 = arith.constant 128 : i32
      %scan3A_94 = arith.addi %scan3A_92, %scan3A_93 : i32
      %scan3A_95 = arith.constant 1 : i32
      scf.for %scan3A_97 = %scan3A_92 to %scan3A_94 step %scan3A_95  : i32 {
        %get3A = arith.index_cast %scan3A_97 : i32 to index
        %get3A_98 = arith.constant 0 : index
        %get3A_99 = tpu.vector_load %arg13[%get3A, %get3A_98] {strides = array<i32>} : memref<128x32xf32, #tpu.memory_space<vmem>>, vector<16xf32>,
        %get3A_100 = arith.index_cast %scan3A_97 : i32 to index
        %get3A_101 = arith.constant 16 : index
        %get3A_102 = tpu.vector_load %arg13[%get3A_100, %get3A_101] {strides = array<i32>} : memref<128x32xf32, #tpu.memory_space<vmem>>, vector<16xf32>,
        %get3A_103 = arith.index_cast %scan3A_97 : i32 to index
        %get3A_104 = arith.constant 0 : index
        %get3A_105 = tpu.vector_load %arg14[%get3A_103, %get3A_104] {strides = array<i32>} : memref<128x32xf32, #tpu.memory_space<vmem>>, vector<16xf32>,
        %get3A_106 = arith.index_cast %scan3A_97 : i32 to index
        %get3A_107 = arith.constant 16 : index
        %get3A_108 = tpu.vector_load %arg14[%get3A_106, %get3A_107] {strides = array<i32>} : memref<128x32xf32, #tpu.memory_space<vmem>>, vector<16xf32>,
        %get3A_109 = arith.index_cast %scan3A_97 : i32 to index
        %get3A_110 = arith.constant 0 : index
        %get3A_111 = tpu.vector_load %arg15[%get3A_109, %get3A_110] {strides = array<i32>} : memref<128x32xf32, #tpu.memory_space<vmem>>, vector<16xf32>,
        %get3A_112 = arith.index_cast %scan3A_97 : i32 to index
        %get3A_113 = arith.constant 16 : index
        %get3A_114 = tpu.vector_load %arg15[%get3A_112, %get3A_113] {strides = array<i32>} : memref<128x32xf32, #tpu.memory_space<vmem>>, vector<16xf32>,
        %get3A_115 = arith.index_cast %scan3A_97 : i32 to index
        %get3A_116 = arith.constant 0 : index
        %get3A_117 = tpu.vector_load %arg16[%get3A_115, %get3A_116] {strides = array<i32>} : memref<128x32xf32, #tpu.memory_space<vmem>>, vector<16xf32>,
        %get3A_118 = arith.index_cast %scan3A_97 : i32 to index
        %get3A_119 = arith.constant 16 : index
        %get3A_120 = tpu.vector_load %arg16[%get3A_118, %get3A_119] {strides = array<i32>} : memref<128x32xf32, #tpu.memory_space<vmem>>, vector<16xf32>,
        %get3A_121 = arith.index_cast %scan3A_97 : i32 to index
        %get3A_122 = arith.constant 0 : index
        %get3A_123 = tpu.vector_load %arg17[%get3A_121, %get3A_122] {strides = array<i32>} : memref<128x32xf32, #tpu.memory_space<vmem>>, vector<16xf32>,
        %get3A_124 = arith.index_cast %scan3A_97 : i32 to index
        %get3A_125 = arith.constant 16 : index
        %get3A_126 = tpu.vector_load %arg17[%get3A_124, %get3A_125] {strides = array<i32>} : memref<128x32xf32, #tpu.memory_space<vmem>>, vector<16xf32>,
        %get3A_127 = arith.index_cast %scan3A_97 : i32 to index
        %get3A_128 = arith.constant 0 : index
        %get3A_129 = tpu.vector_load %arg18[%get3A_127, %get3A_128] {strides = array<i32>} : memref<128x32xf32, #tpu.memory_space<vmem>>, vector<16xf32>,
        %get3A_130 = arith.index_cast %scan3A_97 : i32 to index
        %get3A_131 = arith.constant 16 : index
        %get3A_132 = tpu.vector_load %arg18[%get3A_130, %get3A_131] {strides = array<i32>} : memref<128x32xf32, #tpu.memory_space<vmem>>, vector<16xf32>,
        %add3A_133 = arith.addf %get3A_111, %get3A_117 : vector<16xf32>
        %mul3A_134 = arith.mulf %get3A_99, %add3A_133 : vector<16xf32>
        %sub3A = arith.subf %get3A_117, %get3A_111 : vector<16xf32>
        %mul3A_135 = arith.mulf %get3A_105, %sub3A : vector<16xf32>
        %add3A_136 = arith.addf %mul3A_134, %mul3A_135 : vector<16xf32>
        %add3A_137 = arith.addf %get3A_123, %get3A_129 : vector<16xf32>
        %add3A_138 = arith.addf %add3A_136, %add3A_137 : vector<16xf32>
        %add3A_139 = arith.addf %get3A_114, %get3A_120 : vector<16xf32>
        %mul3A_140 = arith.mulf %get3A_102, %add3A_139 : vector<16xf32>
        %sub3A_141 = arith.subf %get3A_120, %get3A_114 : vector<16xf32>
        %mul3A_142 = arith.mulf %get3A_108, %sub3A_141 : vector<16xf32>
        %add3A_143 = arith.addf %mul3A_140, %mul3A_142 : vector<16xf32>
        %add3A_144 = arith.addf %get3A_126, %get3A_132 : vector<16xf32>
        %add3A_145 = arith.addf %add3A_143, %add3A_144 : vector<16xf32>
        %add3A_146 = arith.addf %add3A_138, %add3A_145 : vector<16xf32>
        %mul3A_147 = arith.constant 128 : i32
        %mul3A_148 = arith.muli %scan3A_14, %mul3A_147 : i32
        %add3A_149 = arith.addi %mul3A_148, %scan3A_97 : i32
        %broadcast_in_dim3A = vector.broadcast %add3A_149 : i32 to vector<16xi32>
        tpu.vector_store_idx %arg20[%broadcast_in_dim3A], %add3A_146 {add = true} : memref<1024xf32, #tpu.memory_space<vmem>>[vector<16xi32>], vector<16xf32>,
      }
      %scan3A_96 = arith.constant 128 : i32
    }
    %scan3A_5 = arith.constant 8 : i32
    %scan3A_6 = arith.constant 0 : i32
    %scan3A_7 = arith.constant 0 : i32
    %scan3A_8 = arith.constant 64 : i32
    %scan3A_9 = arith.addi %scan3A_7, %scan3A_8 : i32
    %scan3A_10 = arith.constant 1 : i32
    scf.for %scan3A_14 = %scan3A_7 to %scan3A_9 step %scan3A_10  : i32 {
      %mul3A_15 = arith.constant 16 : i32
      %mul3A_16 = arith.muli %scan3A_14, %mul3A_15 : i32
      %get3A = arith.index_cast %mul3A_16 : i32 to index
      %get3A_17 = tpu.vector_load %arg20[%get3A] {strides = array<i32>} : memref<1024xf32, #tpu.memory_space<vmem>>, vector<16xf32>,
      %mul3A_18 = arith.constant 16 : i32
      %mul3A_19 = arith.muli %scan3A_14, %mul3A_18 : i32
      %swap3A = arith.index_cast %mul3A_19 : i32 to index
      %swap3A_20 = tpu.vector_load %arg19[%swap3A] {strides = array<i32>} : memref<1024xf32, #tpu.memory_space<vmem>>, vector<16xf32>,
      tpu.vector_store %arg19[%swap3A], %get3A_17 {strides = array<i32>} : memref<1024xf32, #tpu.memory_space<vmem>>, vector<16xf32>,
    }
    %scan3A_11 = arith.constant 64 : i32
    %mul3A_12 = arith.constant 1024 : i32
    %mul3A_13 = arith.muli %add3A, %mul3A_12 : i32
    "tpu.region"() ({
      %run_scoped3A = tpu.sem_alloc : memref<!tpu.dma_semaphore, #tpu.memory_space<semaphore_mem>>
      %dma_start3A = tpu.memref_slice %arg9[%mul3A_13] : memref<32768xf32, #tpu.memory_space<hbm>> -> memref<1024xf32, #tpu.memory_space<hbm>>
      %dma_start3A_14 = tpu.memref_slice %arg9[%mul3A_13] : memref<32768xf32, #tpu.memory_space<hbm>> -> memref<1024xf32, #tpu.memory_space<hbm>>
      tpu.enqueue_dma source(%arg19 : memref<1024xf32, #tpu.memory_space<vmem>>) target(%dma_start3A_14 : memref<1024xf32, #tpu.memory_space<hbm>>) target_semaphore(%run_scoped3A : memref<!tpu.dma_semaphore, #tpu.memory_space<semaphore_mem>>)
      %dma_wait3A = tpu.memref_slice %arg9[%mul3A_13] : memref<32768xf32, #tpu.memory_space<hbm>> -> memref<1024xf32, #tpu.memory_space<hbm>>
      %dma_wait3A_15 = tpu.memref_slice %arg9[%mul3A_13] : memref<32768xf32, #tpu.memory_space<hbm>> -> memref<1024xf32, #tpu.memory_space<hbm>>
      tpu.wait_dma2 semaphore(%run_scoped3A : memref<!tpu.dma_semaphore, #tpu.memory_space<semaphore_mem>>) src(%arg19 : memref<1024xf32, #tpu.memory_space<vmem>>) dst(%dma_wait3A_15 : memref<1024xf32, #tpu.memory_space<hbm>>)
      tpu.yield
    }) : () -> ()
    return
  }
}

</mosaic_0001>

<sc_bundles>
// kernel: kernel.3.cloned.1.call-start
scs
__scs_entry_jumppad:
0x0: {  	(pc) =	sbr.rel $0x88, $3  }
0x1: {  	(tag) =	ssettag $0x0;
	lr =	simm.s32 $0x1  }
0x2: {  	[smem:$0x3F9B] =	sst lr;
	_ =	strace $0xD0000000  }
0x3: {  	_ = 	snop  }
0x4: {  	_ = 	snop  }
0x5: {  	_ = 	snop  }
0x6: {  	_ = 	snop  }
0x7: {  	_ = 	snop  }
__scs_overlays_trampoline_lowered:
0x8: {  	[smem:$0x3FAA] =	sst s0  }
0x9: {  	[smem:$0x3FAB] =	sst s1  }
0xa: {  	[smem:$0x3FAC] =	sst s2  }
0xb: {  	[smem:$0x3FAD] =	sst s3  }
0xc: {  	[smem:$0x3FAE] =	sst s4  }
0xd: {  	[smem:$0x3FAF] =	sst s5  }
0xe: {  	[smem:$0x3FB0] =	sst s6  }
0xf: {  	[smem:$0x3FB1] =	sst s7  }
0x10: {  	[smem:$0x3FB2] =	sst s8  }
0x11: {  	[smem:$0x3FB3] =	sst s9;
	s0 =	simm.s32 @!p0 $0x0  }
0x12: {  	s1 =	sld [smem:$0x3F99];
	s0 =	simm.s32 @p0 $0x1  }
0x13: {  	[smem:$0x3FB4] =	sst s0;
	s0 =	simm.s32 @!p1 $0x0  }
0x14: {  	s2 =	sld [smem:$0x3F98];
	s0 =	simm.s32 @p1 $0x1  }
0x15: {  	[smem:$0x3FB5] =	sst s0;
	s0 =	simm.s32 @!p2 $0x0  }
0x16: {  	s3 =	sld [smem:$0x3FDB];
	s0 =	simm.s32 @p2 $0x1  }
0x17: {  	s4 =	simm.s32 $0x1BF5;
	[smem:$0x3FB7] =	sst s0  }
0x18: {  	s0 =	sld [smem:$0x3F9A];
	_ =	swait.ge [sflag:s4], $0x0  }
0x19: {  	s7 =	sld [smem:$0x3F9B]  }
0x1a: {  	s8 =	sadd.s32 $0xFFFFE003, lr  }
0x1b: {  	s9 =	sadd.s32 $0xFFFFFEF7, lr;
	s5 =	simm.s32 $0xFFFFFFFF;
	p2 =	slt.u32 s8, $0xFFFFF086  }
0x1c: {  	p1 =	slt.u32 s9, $0xF7A;
	s5 =	simm.s32 @!p2 $0x0  }
0x1d: {  	s5 =	simm.s32 @p1 $0x1;
	p0 =	seq.s32 s7, s2  }
0x1e: {  	s7 =	smul.u32 @!p0 $0xF7A, s2;
	p2 =	seq.s32 @!p0 s5, $0x0  }
0x1f: {  	s9 =	smul.u32 $0xF7A, s1;
	s8 =	simm.s32 @!p0 $0x1BF5;
	p2 =	por !p2, p0  }
0x20: {  	[sflag:s8] =	ssyncset.s32 @!p0 $0xFFFFF086;
	s6 =	sadd.s32 @!p0 s3, s7;
	s7 =	simm.s32 @!p0 $0x108  }
0x21: {  	s3 =	sadd.s32 s3, s9;
	s6 =	sadd.s32 @!p0 $0x88, s6;
	s7 =	simm.s32 @p2 $0x1082  }
0x22: {  	[simem:s7], [sflag:s8] =	dma.local @!p0 [hbm:s6], $0xF7A  }
0x23: {  	s9 =	sor.u32 $0xD0000000, s2;
	s6 =	simm.s32 $0x108;
	_ =	swait.ge @!p0 [sflag:s8], $0x0  }
0x24: {  	s3 =	sadd.s32 $0x88, s3;
	s6 =	simm.s32 @!p1 $0x1082;
	[sflag:s4] =	ssyncset.s32 $0xFFFFF086  }
0x25: {  	[simem:s6], [sflag:s4] =	dma.local [hbm:s3], $0xF7A  }
0x26: {  	[smem:$0x3F9B] =	sst s1;
	(tag) =	ssettag s2;
	_ =	strace s9  }
0x27: {  	s1 =	sld [smem:$0x3FAB]  }
0x28: {  	s2 =	sld [smem:$0x3FAC]  }
0x29: {  	s4 =	sld [smem:$0x3FAE]  }
0x2a: {  	p0 =	seq.s32 s5, $0x0;
	s5 =	sld [smem:$0x3FAF]  }
0x2b: {  	s6 =	sld [smem:$0x3FB0]  }
0x2c: {  	s7 =	sld [smem:$0x3FB1]  }
0x2d: {  	s3 =	simm.s32 $0x108;
	s8 =	sld [smem:$0x3FB2]  }
0x2e: {  	s3 =	simm.s32 @!p0 $0x1082;
	s9 =	sld [smem:$0x3FB3]  }
0x2f: {  	lr =	sadd.s32 s0, s3;
	s0 =	sld [smem:$0x3FAA]  }
0x30: {  	s3 =	sld [smem:$0x3FAD]  }
0x31: {  	[smem:$0x3FB6] =	sst s10  }
0x32: {  	s10 =	sld [smem:$0x3FB4];
	_ =	sdelay $0x3  }
0x33: {  	p0 =	seq.s32 s10, $0x1;
	s10 =	sld [smem:$0x3FB6];
	_ =	sdelay $0x3  }
0x34: {  	[smem:$0x3FB6] =	sst s10  }
0x35: {  	s10 =	sld [smem:$0x3FB5];
	_ =	sdelay $0x3  }
0x36: {  	p1 =	seq.s32 s10, $0x1;
	s10 =	sld [smem:$0x3FB6];
	_ =	sdelay $0x3  }
0x37: {  	[smem:$0x3FB6] =	sst s10  }
0x38: {  	s10 =	sld [smem:$0x3FB7]  }
0x39: {  	_ = 	snop;
	(pc) =	sbr.ind lr, $3  }
0x3a: {  	_ = 	snop  }
0x3b: {  	_ = 	snop  }
0x3c: {  	p2 =	seq.s32 s10, $0x1;
	s10 =	sld [smem:$0x3FB6]  }
0x3d: {  	_ =	shalt  }
0x3e: {  	_ =	shalt  }
0x3f: {  	_ =	shalt  }
0x40: {  	_ =	shalt  }
0x41: {  	_ =	shalt  }
0x42: {  	_ =	shalt  }
0x43: {  	_ =	shalt  }
0x44: {  	_ =	shalt  }
0x45: {  	_ =	shalt  }
0x46: {  	_ =	shalt  }
0x47: {  	_ =	shalt  }
0x48: {  	_ =	shalt  }
0x49: {  	_ =	shalt  }
0x4a: {  	_ =	shalt  }
0x4b: {  	_ =	shalt  }
0x4c: {  	_ =	shalt  }
0x4d: {  	_ =	shalt  }
0x4e: {  	_ =	shalt  }
0x4f: {  	_ =	shalt  }
0x50: {  	_ =	shalt  }
0x51: {  	_ =	shalt  }
0x52: {  	_ =	shalt  }
0x53: {  	_ =	shalt  }
0x54: {  	_ =	shalt  }
0x55: {  	_ =	shalt  }
0x56: {  	_ =	shalt  }
0x57: {  	_ =	shalt  }
0x58: {  	_ =	shalt  }
0x59: {  	_ =	shalt  }
0x5a: {  	_ =	shalt  }
0x5b: {  	_ =	shalt  }
0x5c: {  	_ =	shalt  }
0x5d: {  	_ =	shalt  }
0x5e: {  	_ =	shalt  }
0x5f: {  	_ =	shalt  }
0x60: {  	_ =	shalt  }
0x61: {  	_ =	shalt  }
0x62: {  	_ =	shalt  }
0x63: {  	_ =	shalt  }
0x64: {  	_ =	shalt  }
0x65: {  	_ =	shalt  }
0x66: {  	_ =	shalt  }
0x67: {  	_ =	shalt  }
0x68: {  	_ =	shalt  }
0x69: {  	_ =	shalt  }
0x6a: {  	_ =	shalt  }
0x6b: {  	_ =	shalt  }
0x6c: {  	_ =	shalt  }
0x6d: {  	_ =	shalt  }
0x6e: {  	_ =	shalt  }
0x6f: {  	_ =	shalt  }
0x70: {  	_ =	shalt  }
0x71: {  	_ =	shalt  }
0x72: {  	_ =	shalt  }
0x73: {  	_ =	shalt  }
0x74: {  	_ =	shalt  }
0x75: {  	_ =	shalt  }
0x76: {  	_ =	shalt  }
0x77: {  	_ =	shalt  }
0x78: {  	_ =	shalt  }
0x79: {  	_ =	shalt  }
0x7a: {  	_ =	shalt  }
0x7b: {  	_ =	shalt  }
0x7c: {  	_ =	shalt  }
0x7d: {  	_ =	shalt  }
0x7e: {  	_ =	shalt  }
0x7f: {  	_ =	shalt  }
0x80: {  	_ =	shalt  }
0x81: {  	_ =	shalt  }
0x82: {  	_ =	shalt  }
0x83: {  	_ =	shalt  }
0x84: {  	_ =	shalt  }
0x85: {  	_ =	shalt  }
0x86: {  	_ =	shalt  }
0x87: {  	_ =	shalt  }
.Lfunc_end0:
.L_simem_size_0:
called_computation_lowered:
.L_overlay_start_0:
0x88: {  	s2 =	sld [smem:$0x3FD9]  }
0x89: {  	s3 =	sld [smem:$0x3FFE];
	_ =	sdelay $0x1  }
0x8a: {  	s1 =	srdreg.scid  }
0x8b: {  	s0 =	sand.u32 $0x1, s1  }
0x8c: {  	s16 =	sshll.u32 s0, $0xA;
	s2 =	sadd.s32 s3, s2  }
0x8d: {  	s2 =	sadd.s32 s2, s16  }
0x8e: {  	[smem:$0x3FC2] =	sst s2  }
0x8f: {  	_ = 	snop  }
0x90: {  	(tm) =	ssettm $0x1  }
0x91: {  	s17 =	sld [smem:$0x3FFB];
	_ =	sdelay $0x3  }
0x92: {  	_ =	strace s17  }
0x93: {  	s2 =	sld [smem:$0x3FFC];
	_ =	sdelay $0x3  }
0x94: {  	_ =	strace s2  }
0x95: {  	s2 =	sld [smem:$0x3FFD];
	_ =	sdelay $0x3  }
0x96: {  	_ =	strace s2  }
0x97: {  	_ =	strace $0x8FFFFFFF  }
0x98: {  	s18 =	sld [smem:$0x3FDB];
	_ =	sdelay $0x1  }
0x99: {  	s19 =	simm.s32 $_scs_section_size  }
0x9a: {  	s4 =	simm.s32 $_size__tile_overlayer_lowered;
	s5 =	simm.s32 $_tile_overlayer_lowered  }
0x9b: {  	s22 =	simm.s32 $0x1BFF;
	s21 =	sshll.u32 s5, $0x1;
	s2 =	sadd.s32 s19, s18  }
0x9c: {  	s6 =	simm.s32 $0x0;
	s20 =	sshll.u32 s4, $0x1;
	s4 =	sadd.s32 s21, s2  }
0x9d: {  	[timem:s6], [sflag:s22] =	dma.local [hbm:s4], s20  }
0x9e: {  	_ =	swait.ge [sflag:s22], s20  }
0x9f: {  	s3 =	ssub.s32 $0x0, s20;
	[sflag:s22] =	ssyncset.done $0x0  }
0xa0: {  	[sflag:s22] =	ssyncadd.s32 s3;
	_ =	sdelay $0x1  }
0xa1: {  	s23 =	simm.s32 $0x1B8B  }
0xa2: {  	_ =	swait.ge [sflag:s23], $0x1  }
0xa3: {  	[sflag:s23] =	ssyncset.done $0x0  }
0xa4: {  	s25 =	simm.s32 $0x1B8E;
	s24 =	sld [smem:$0x3FFE];
	[sflag:s23] =	ssyncadd.s32 $0xFFFFFFFF  }
0xa5: {  	s26 =	simm.s32 $execute0_lowered;
	[smem:$0x3FD2] =	sst s25  }
0xa6: {  	s4 =	sshll.u32 s26, $0x1;
	_ =	strace $0x80000046;
	[dreg:$0x1] =	wrdreg $0xFFFFFFFF  }
0xa7: {  	s28 =	simm.s32 $_size_execute0_lowered;
	s2 =	sadd.s32 s2, s4;
	[dreg:$0x0] =	wrdreg $0x0  }
0xa8: {  	s4 =	sshll.u32 s28, $0x1;
	[dreg:$0x2] =	wrdreg s2  }
0xa9: {  	[dreg:$0x3] =	wrdreg s4  }
0xaa: {  	[dreg:$0x4] =	wrdreg $0xC0  }
0xab: {  	_ =	task [dreg:s6], $0x5FFFF  }
0xac: {  	[dreg:$0x1] =	wrdreg $0xFFFFFFFF  }
0xad: {  	[dreg:$0x0] =	wrdreg $0x60  }
0xae: {  	[dreg:$0x2] =	wrdreg s24  }
0xaf: {  	[dreg:$0x3] =	wrdreg $0x9  }
0xb0: {  	_ =	task.clear_ibuf [dreg:s6], $0x4FFFF;
	_ =	strace $0x90000046  }
0xb1: {  	s29 =	simm.s32 $0x9;
	_ =	strace $0x80000048  }
0xb2: {  	_ =	swait.ge [sflag:s29], $0x1  }
0xb3: {  	[sflag:s29] =	ssyncadd.s32 $0xFFFFFFFF  }
0xb4: {  	_ =	strace $0x90000048  }
0xb5: {  	_ =	sfence  }
0xb6: {  	s30 =	sld [smem:$0x0];
	_ =	sdelay $0x2  }
0xb7: {  	s31 =	sshll.u32 s1, $0xD;
	s1 =	sshrl.u32 s1, $0x2  }
0xb8: {  	s3 =	sand.u32 $0x4000, s31;
	s1 =	sadd.s32 s1, s30  }
0xb9: {  	s0 =	sor.u32 s3, s0;
	s1 =	sshll.u32 s1, $0x11  }
0xba: {  	s0 =	sor.u32 s1, s0  }
0xbb: {  	s0 =	sadd.s32 $0x8F2B, s0  }
0xbc: {  	[sflag:s0] =	ssyncadd.remote.s32 $0x1  }
0xbd: {  	_ =	sfence.sel $0xFFFF  }
0xbe: {  	[dreg:$0x0] =	wrdreg $0xFFFFFFFF;
	(pc) =	sbr.abs _section_cstart, $3  }
0xbf: {  	[dreg:$0x1] =	wrdreg $0xFFFFFFFF  }
0xc0: {  	_ =	task.clear_ibuf [dreg:s6], $0x2FFFF;
	_ =	strace $0x9FFFFFFF  }
0xc1: {  	(tm) =	ssettm $0x7FFFFFFF  }
tec
execute0_lowered:
.L_overlay_start_1:
0x0: {  	(tag) =	ssettag $0x1  }
0x1: {  	s0 =	rddreg [dreg:$0x0]  }
0x2: {  	s2 =	simm.s32 $0x0;
	s1 =	srdreg.scid;
	s4 =	stileid.u32  }
0x3: {  	s12 =	simm.s32 $0x2;
	s15 =	simm.s32 $0x80;
	s16 =	simm.s32 $0xC00  }
0x4: {  	s17 =	simm.s32 $0x1C00;
	s18 =	simm.s32 $0x2C00;
	s19 =	simm.s32 $0x3C00  }
0x5: {  	s20 =	simm.s32 $0x4C00;
	s21 =	simm.s32 $0x5C00;
	s22 =	simm.s32 $0x1  }
0x6: {  	s23 =	simm.s32 $0x7000;
	s25 =	simm.s32 $0x0;
	s1 =	sand.u32 $0x1, s1  }
0x7: {  	[smem:$0x7FF] =	sst s2;
	s5 =	sshll.u32 s4, $0x8;
	s6 =	sshll.u32 s1, $0x7  }
0x8: {  	s3 =	sadd.s32 $0xF45C00, s0;
	s4 =	sadd.s32 $0x1316600, s0;
	s6 =	sor.u32 s6, s5  }
0x9: {  	_ =	strace $0x80000047;
	s1 =	ssub.s32 $0x2, s1;
	s7 =	sadd.s32 s6, s0  }
0xa: {  	s5 =	sadd.s32 $0x16E7000, s0;
	s8 =	sshrl.u32 s1, $0x1;
	s29 =	sadd.s32 $0x2800, s7  }
0xb: {  	s6 =	sadd.s32 $0x1AB7A00, s0;
	s30 =	sadd.s32 $0x1800, s7;
	[dreg:$0x2] =	wrdreg s29  }
0xc: {  	s28 =	ssub.s32 s1, s8;
	s31 =	sadd.s32 $0x800, s7;
	[dreg:$0x3] =	wrdreg s30  }
0xd: {  	v0 =	vimm.f32 $0.0e+00;
	s10 =	sadd.s32 $0x3800, s7;
	s11 =	smax.u32 s28, $0x1;
	[dreg:$0x4] =	wrdreg s31  }
.LBB2_1:
0xe: {  	s0 =	rddreg [dreg:$0x2]  }
0xf: {  	[tilespmem:s2], [sflag:$0x2] =	stream.linear.gather [hbm4b:s0+s2], $0x400, $0x38;
	[tilespmem:$0x7400] =	vst v63  }
0x10: {  	_ =	swait.ge [sflag:s12], $0x400  }
0x11: {  	[sflag:s12] =	ssyncset.done $0x0  }
0x12: {  	s1 =	simm.s32 $0x400;
	s29 =	rddreg [dreg:$0x3];
	[sflag:s12] =	ssyncadd.s32 $0xFFFFFC00  }
0x13: {  	[tilespmem:s1], [sflag:$0x2] =	stream.linear.gather [hbm4b:s29+s2], $0x400, $0x38;
	[tilespmem:$0x7400] =	vst v63  }
0x14: {  	_ =	swait.ge [sflag:s12], $0x400  }
0x15: {  	[sflag:s12] =	ssyncset.done $0x0  }
0x16: {  	s31 =	simm.s32 $0x800;
	s30 =	rddreg [dreg:$0x4];
	[sflag:s12] =	ssyncadd.s32 $0xFFFFFC00  }
0x17: {  	[tilespmem:s31], [sflag:$0x2] =	stream.linear.gather [hbm4b:s30+s2], $0x400, $0x38;
	[tilespmem:$0x7400] =	vst v63  }
0x18: {  	_ =	swait.ge [sflag:s12], $0x400  }
0x19: {  	[sflag:s12] =	ssyncset.done $0x0  }
0x1a: {  	s24 =	simm.s32 $0x0;
	s28 =	simm.s32 $0x0;
	[sflag:s12] =	ssyncadd.s32 $0xFFFFFC00  }
.LBB2_2:
0x1b: {  	s0 =	sshll.u32 s28, $0x7  }
0x1c: {  	[tilespmem:s16], [sflag:$0x1] =	stream.indirect.gather [hbm4b:s3+s15], $0x20, s0, s15, $0xb8;
	[tilespmem:$0x7400] =	vst v63  }
0x1d: {  	_ = 	snop  }
0x1e: {  	[tilespmem:s17], [sflag:$0x1] =	stream.indirect.gather [hbm4b:s4+s15], $0x20, s0, s15, $0xb8;
	[tilespmem:$0x7400] =	vst v63  }
0x1f: {  	s1 =	sadd.s32 $0x800, s0  }
0x20: {  	[tilespmem:s18], [sflag:$0x1] =	stream.indirect.gather [hbm4b:s3+s15], $0x20, s1, s15, $0xb8;
	[tilespmem:$0x7400] =	vst v63  }
0x21: {  	_ = 	snop  }
0x22: {  	[tilespmem:s19], [sflag:$0x1] =	stream.indirect.gather [hbm4b:s4+s15], $0x20, s1, s15, $0xb8;
	[tilespmem:$0x7400] =	vst v63  }
0x23: {  	s26 =	sadd.s32 $0x400, s0  }
0x24: {  	[tilespmem:s20], [sflag:$0x1] =	stream.indirect.gather [hbm4b:s5+s15], $0x20, s26, s15, $0xb8;
	[tilespmem:$0x7400] =	vst v63  }
0x25: {  	_ = 	snop  }
0x26: {  	[tilespmem:s21], [sflag:$0x1] =	stream.indirect.gather [hbm4b:s6+s15], $0x20, s26, s15, $0xb8;
	[tilespmem:$0x7400] =	vst v63  }
0x27: {  	_ =	swait.ge [sflag:s22], $0x1000  }
0x28: {  	[sflag:s22] =	ssyncset.done $0x0  }
0x29: {  	[sflag:s22] =	ssyncadd.s32 $0xFFFFF000  }
0x2a: {  	_ =	swait.ge [sflag:s22], $0x1000  }
0x2b: {  	[sflag:s22] =	ssyncset.done $0x0  }
0x2c: {  	[sflag:s22] =	ssyncadd.s32 $0xFFFFF000  }
0x2d: {  	_ =	swait.ge [sflag:s22], $0x1000  }
0x2e: {  	[sflag:s22] =	ssyncset.done $0x0  }
0x2f: {  	[sflag:s22] =	ssyncadd.s32 $0xFFFFF000  }
0x30: {  	_ =	swait.ge [sflag:s22], $0x1000  }
0x31: {  	[sflag:s22] =	ssyncset.done $0x0  }
0x32: {  	[sflag:s22] =	ssyncadd.s32 $0xFFFFF000  }
0x33: {  	_ =	swait.ge [sflag:s22], $0x1000  }
0x34: {  	[sflag:s22] =	ssyncset.done $0x0  }
0x35: {  	[sflag:s22] =	ssyncadd.s32 $0xFFFFF000  }
0x36: {  	_ =	swait.ge [sflag:s22], $0x1000  }
0x37: {  	[sflag:s22] =	ssyncset.done $0x0  }
0x38: {  	[sflag:s22] =	ssyncadd.s32 $0xFFFFF000  }
0x39: {  	[tilespmem:s0+$0x7000] =	vst v0  }
0x3a: {  	[tilespmem:s0+$0x7010] =	vst v0  }
0x3b: {  	[tilespmem:s0+$0x7020] =	vst v0  }
0x3c: {  	[tilespmem:s0+$0x7030] =	vst v0  }
0x3d: {  	[tilespmem:s0+$0x7040] =	vst v0  }
0x3e: {  	[tilespmem:s0+$0x7050] =	vst v0  }
0x3f: {  	[tilespmem:s0+$0x7060] =	vst v0  }
0x40: {  	s14 =	simm.s32 $0x0;
	[tilespmem:s0+$0x7070] =	vst v0  }
0x41: {  	v3 =	vld [tilespmem:s14+$0xC00]  }
0x42: {  	v1 =	vld [tilespmem:s14+$0x5C10]  }
0x43: {  	v2 =	vld [tilespmem:s14+$0x5C00]  }
0x44: {  	s1 =	sadd.s32 $0x1, s24;
	v4 =	vld [tilespmem:s14+$0x3C10]  }
0x45: {  	s13 =	simm.s32 $0x20;
	s31 =	sadd.s32 $0x1, s1;
	v5 =	vld [tilespmem:s14+$0x2C00]  }
0x46: {  	s8 =	simm.s32 $0x200;
	s30 =	simm.s32 $0x60;
	s29 =	sadd.s32 $0x1, s31;
	v7 =	vld [tilespmem:s14+$0x3C00]  }
0x47: {  	s7 =	smov.u32 s29;
	s26 =	smov.u32 s24;
	s0 =	simm.s32 $0x40;
	v6 =	vld [tilespmem:s14+$0x2C10]  }
.LBB2_3:
0x48: {  	p0 =	sne.s32 s8, $0x3F80  }
0x49: {  	s29 =	sadd.s32 $0x1, s29;
	v8 =	vld [tilespmem:s14+$0xC10];
	s9 =	smov.u32 s8;
	s8 =	sadd.s32 $0x80, s8  }
0x4a: {  	v9 =	vld [tilespmem:s14+$0x1C00]  }
0x4b: {  	v10 =	vld [tilespmem:s14+$0x1C10]  }
0x4c: {  	v11 =	vld [tilespmem:s14+$0x4C00];
	v12 =	vadd.f32 v7, v5  }
0x4d: {  	v5 =	vsub.f32 v7, v5;
	v13 =	vld [tilespmem:s14+$0x4C10];
	v7 =	vadd.f32 v4, v6;
	s14 =	smov.u32 s13;
	s13 =	smov.u32 s0;
	s0 =	smov.u32 s30  }
0x4e: {  	v4 =	vsub.f32 v4, v6;
	v3 =	vmul.f32 v12, v3  }
0x4f: {  	v5 =	vmul.f32 v5, v9;
	v6 =	vmul.f32 v7, v8  }
0x50: {  	s30 =	sshra.s32 s9, $0x2;
	v4 =	vmul.f32 v4, v10  }
0x51: {  	v3 =	vadd.f32 v5, v3;
	v2 =	vadd.f32 v2, v11  }
0x52: {  	v5 =	vmov s26;
	s26 =	smov.u32 s1;
	s1 =	smov.u32 s31;
	s31 =	smov.u32 s7;
	v4 =	vadd.f32 v4, v6;
	v1 =	vadd.f32 v1, v13  }
0x53: {  	s7 =	smov.u32 s29;
	v2 =	vadd.f32 v2, v3  }
0x54: {  	v1 =	vadd.f32 v1, v4;
	_ =	sdelay $0x1  }
0x55: {  	v1 =	vadd.f32 v1, v2;
	_ =	sdelay $0x1  }
0x56: {  	[tilespmem:v5+s23+$0x0] =	vst.idx.add.f32.msk $0xffff, v1  }
0x57: {  	v3 =	vld [tilespmem:s14+$0xC00]  }
0x58: {  	v1 =	vld [tilespmem:s14+$0x5C10]  }
.Ltmp0:
0x59: {  	v2 =	vld [tilespmem:s14+$0x5C00];
	(pc) =	sbr.rel @p0 .LBB2_3-.Ltmp0, $4  }
0x5a: {  	v4 =	vld [tilespmem:s14+$0x3C10]  }
0x5b: {  	v5 =	vld [tilespmem:s14+$0x2C00]  }
0x5c: {  	v7 =	vld [tilespmem:s14+$0x3C00]  }
0x5d: {  	v6 =	vld [tilespmem:s14+$0x2C10]  }
0x5e: {  	v8 =	vld [tilespmem:s14+$0xC10]  }
0x5f: {  	v9 =	vld [tilespmem:s14+$0x1C00]  }
0x60: {  	v10 =	vld [tilespmem:s14+$0x1C10]  }
0x61: {  	v11 =	vld [tilespmem:s14+$0x4C00]  }
0x62: {  	v13 =	vld [tilespmem:s14+$0x4C10]  }
0x63: {  	v12 =	vadd.f32 v7, v5;
	v26 =	vsub.f32 v7, v5  }
0x64: {  	v27 =	vadd.f32 v4, v6;
	v28 =	vsub.f32 v4, v6  }
0x65: {  	v3 =	vmul.f32 v12, v3;
	v5 =	vmul.f32 v26, v9  }
0x66: {  	v29 =	vmul.f32 v27, v8;
	v4 =	vmul.f32 v28, v10  }
0x67: {  	v2 =	vadd.f32 v2, v11;
	v1 =	vadd.f32 v1, v13  }
0x68: {  	v3 =	vadd.f32 v5, v3;
	v4 =	vadd.f32 v4, v29  }
0x69: {  	v30 =	vmov s26  }
0x6a: {  	v2 =	vadd.f32 v2, v3;
	v1 =	vadd.f32 v1, v4;
	_ =	sdelay $0x1  }
0x6b: {  	v1 =	vadd.f32 v1, v2;
	_ =	sdelay $0x1  }
0x6c: {  	[tilespmem:v30+s23+$0x0] =	vst.idx.add.f32.msk $0xffff, v1  }
0x6d: {  	v1 =	vld [tilespmem:s13+$0xC00]  }
0x6e: {  	v2 =	vld [tilespmem:s13+$0x5C10]  }
0x6f: {  	v3 =	vld [tilespmem:s13+$0x5C00]  }
0x70: {  	v31 =	vld [tilespmem:s13+$0x3C10]  }
0x71: {  	v5 =	vld [tilespmem:s13+$0x2C00]  }
0x72: {  	v32 =	vld [tilespmem:s13+$0x3C00]  }
0x73: {  	v33 =	vld [tilespmem:s13+$0x2C10]  }
0x74: {  	v34 =	vld [tilespmem:s13+$0xC10]  }
0x75: {  	v35 =	vld [tilespmem:s13+$0x1C00]  }
0x76: {  	v36 =	vld [tilespmem:s13+$0x1C10]  }
0x77: {  	v37 =	vld [tilespmem:s13+$0x4C00]  }
0x78: {  	v39 =	vld [tilespmem:s13+$0x4C10]  }
0x79: {  	v38 =	vadd.f32 v32, v5;
	v5 =	vsub.f32 v32, v5  }
0x7a: {  	v40 =	vadd.f32 v31, v33;
	v4 =	vsub.f32 v31, v33  }
0x7b: {  	v1 =	vmul.f32 v38, v1;
	v5 =	vmul.f32 v5, v35  }
0x7c: {  	v6 =	vmul.f32 v40, v34;
	v4 =	vmul.f32 v4, v36  }
0x7d: {  	v3 =	vadd.f32 v3, v37;
	v2 =	vadd.f32 v2, v39  }
0x7e: {  	v1 =	vadd.f32 v5, v1;
	v4 =	vadd.f32 v4, v6  }
0x7f: {  	v41 =	vmov s1  }
0x80: {  	v1 =	vadd.f32 v3, v1;
	v2 =	vadd.f32 v2, v4;
	_ =	sdelay $0x1  }
0x81: {  	v1 =	vadd.f32 v2, v1;
	_ =	sdelay $0x1  }
0x82: {  	[tilespmem:v41+s23+$0x0] =	vst.idx.add.f32.msk $0xffff, v1  }
0x83: {  	v1 =	vld [tilespmem:s0+$0xC00]  }
0x84: {  	v2 =	vld [tilespmem:s0+$0x5C10]  }
0x85: {  	v3 =	vld [tilespmem:s0+$0x5C00]  }
0x86: {  	v42 =	vld [tilespmem:s0+$0x3C10]  }
0x87: {  	v5 =	vld [tilespmem:s0+$0x2C00]  }
0x88: {  	v43 =	vld [tilespmem:s0+$0x3C00]  }
0x89: {  	v44 =	vld [tilespmem:s0+$0x2C10]  }
0x8a: {  	v45 =	vld [tilespmem:s0+$0xC10]  }
0x8b: {  	v46 =	vld [tilespmem:s0+$0x1C00]  }
0x8c: {  	v47 =	vld [tilespmem:s0+$0x1C10]  }
0x8d: {  	v48 =	vld [tilespmem:s0+$0x4C00]  }
0x8e: {  	v50 =	vld [tilespmem:s0+$0x4C10]  }
0x8f: {  	v49 =	vadd.f32 v43, v5;
	v5 =	vsub.f32 v43, v5  }
0x90: {  	v51 =	vadd.f32 v42, v44;
	v4 =	vsub.f32 v42, v44  }
0x91: {  	v1 =	vmul.f32 v49, v1;
	v5 =	vmul.f32 v5, v46  }
0x92: {  	v6 =	vmul.f32 v51, v45;
	v4 =	vmul.f32 v4, v47  }
0x93: {  	v3 =	vadd.f32 v3, v48;
	v2 =	vadd.f32 v2, v50  }
0x94: {  	v1 =	vadd.f32 v5, v1;
	v4 =	vadd.f32 v4, v6  }
0x95: {  	v52 =	vmov s31  }
0x96: {  	v1 =	vadd.f32 v3, v1;
	v2 =	vadd.f32 v2, v4;
	_ =	sdelay $0x1  }
0x97: {  	v1 =	vadd.f32 v2, v1;
	_ =	sdelay $0x1  }
0x98: {  	[tilespmem:v52+s23+$0x0] =	vst.idx.add.f32.msk $0xffff, v1  }
0x99: {  	v1 =	vld [tilespmem:s30+$0xC00]  }
0x9a: {  	v2 =	vld [tilespmem:s30+$0x5C10]  }
0x9b: {  	v3 =	vld [tilespmem:s30+$0x5C00]  }
0x9c: {  	v53 =	vld [tilespmem:s30+$0x3C10]  }
0x9d: {  	v5 =	vld [tilespmem:s30+$0x2C00]  }
0x9e: {  	v54 =	vld [tilespmem:s30+$0x3C00]  }
0x9f: {  	v55 =	vld [tilespmem:s30+$0x2C10]  }
0xa0: {  	v56 =	vld [tilespmem:s30+$0xC10]  }
0xa1: {  	v57 =	vld [tilespmem:s30+$0x1C00]  }
0xa2: {  	v58 =	vld [tilespmem:s30+$0x1C10]  }
0xa3: {  	v59 =	vld [tilespmem:s30+$0x4C00]  }
0xa4: {  	v61 =	vld [tilespmem:s30+$0x4C10]  }
0xa5: {  	v60 =	vadd.f32 v54, v5;
	v5 =	vsub.f32 v54, v5  }
0xa6: {  	v62 =	vadd.f32 v53, v55;
	v4 =	vsub.f32 v53, v55  }
0xa7: {  	v1 =	vmul.f32 v60, v1;
	v5 =	vmul.f32 v5, v57  }
0xa8: {  	v6 =	vmul.f32 v62, v56;
	v4 =	vmul.f32 v4, v58  }
0xa9: {  	v3 =	vadd.f32 v3, v59;
	v2 =	vadd.f32 v2, v61  }
0xaa: {  	s28 =	sadd.s32 $0x1, s28;
	v1 =	vadd.f32 v5, v1;
	v4 =	vadd.f32 v4, v6  }
0xab: {  	v63 =	vmov s7;
	p0 =	sne.s32 s28, $0x8  }
.Ltmp1:
0xac: {  	v1 =	vadd.f32 v3, v1;
	v2 =	vadd.f32 v2, v4;
	(pc) =	sbr.rel @p0 .LBB2_2-.Ltmp1, $3  }
0xad: {  	_ = 	snop  }
0xae: {  	v1 =	vadd.f32 v2, v1;
	_ =	sdelay $0x1  }
0xaf: {  	s24 =	sadd.s32 $0x80, s24;
	[tilespmem:v63+s23+$0x0] =	vst.idx.add.f32.msk $0xffff, v1  }
0xb0: {  	s0 =	simm.s32 $0x0  }
0xb1: {  	s1 =	simm.s32 $0x40;
	v1 =	vld [tilespmem:s0+$0x7000]  }
.LBB2_6:
0xb2: {  	p0 =	sne.s32 s1, $0xFC0  }
.Ltmp2:
0xb3: {  	_ = 	snop;
	(pc) =	sbr.rel @p0 .LBB2_6-.Ltmp2, $3  }
0xb4: {  	_ =	sdelay $0x1  }
0xb5: {  	[tilespmem:s0+$0x6C00] =	vst v1;
	s0 =	sshra.s32 s1, $0x2;
	s1 =	sadd.s32 $0x40, s1  }
0xb6: {  	v1 =	vld [tilespmem:s0+$0x7000]  }
0xb7: {  	_ =	sdelay $0x1  }
0xb8: {  	s25 =	sadd.s32 $0x1, s25  }
0xb9: {  	p0 =	sne.s32 s25, s11  }
.Ltmp3:
0xba: {  	s31 =	simm.s32 $0x6C00;
	[tilespmem:s0+$0x6C00] =	vst v1;
	(pc) =	sbr.rel @p0 .LBB2_1-.Ltmp3, $4  }
0xbb: {  	[hbm4b:s10+s2] =	stream.linear.scatter [tilespmem:s31], [sflag:$0x2], $0x400, $0x38;
	[tilespmem:$0x7400] =	vst v63  }
0xbc: {  	_ =	swait.ge [sflag:s12], $0x400  }
0xbd: {  	[sflag:s12] =	ssyncset.done $0x0  }
0xbe: {  	[sflag:s12] =	ssyncadd.s32 $0xFFFFFC00  }
0xbf: {  	_ =	sfence.sel $0x180000  }
0xc0: {  	[bflag:$0x0] =	sbarrier.arrive $0xFFFF  }
0xc1: {  	_ =	strace $0x90000047  }
0xc2: {  	s0 =	stileid.u32;
	[bflag:$0x2] =	sbarrier.arrive $0xFFFF  }
0xc3: {  	p0 =	sne.s32 s0, $0x0;
	s0 =	rddreg [dreg:$0x1]  }
0xc4: {  	s0 =	sadd.s32 @!p0 $0x100000, s0  }
0xc5: {  	[sflag:s0] =	ssyncadd.tile.s32 @!p0 $0x1;
	_ =	shalt  }
.Lfunc_end2:
_tile_overlayer_lowered:
.L_overlay_start_2:
0xc6: {  	(tag) =	ssettag $0x2  }
0xc7: {  	s0 =	rddreg [dreg:$0x0];
	s2 =	stileid.u32  }
0xc8: {  	s1 =	rddreg [dreg:$0x1];
	p0 =	sne.s32 s2, $0x0  }
0xc9: {  	s3 =	rddreg [dreg:$0x2];
	[bflag:$0x3] =	sbarrier.arrive $0xFFFF;
	s2 =	simm.s32 @!p0 $0x1C02  }
0xca: {  	[timem:s3], [sflag:s2] =	dma.local @!p0 [hbm:s0], s1  }
0xcb: {  	s0 =	simm.s32 @!p0 $0x2  }
0xcc: {  	_ =	swait.ge @!p0 [sflag:s0], s1  }
0xcd: {  	s1 =	ssub.s32 @!p0 $0x0, s1;
	[sflag:s0] =	ssyncset.done @!p0 $0x0  }
0xce: {  	[sflag:s0] =	ssyncadd.s32 @!p0 s1  }
0xcf: {  	[bflag:$0x3] =	sbarrier.arrive $0xFFFF  }
0xd0: {  	_ =	shalt  }

</sc_bundles>
